<compile_context>
chip_gen: v7x
topology: tpu7x:2x2x1
jax: 0.10.2.dev20260603
libtpu: 0.0.44.dev20260713+nightly
codegen_flags: <defaults>
</compile_context>

<pallas_src>
import functools

import jax
import jax.numpy as jnp
from jax import lax
from jax.experimental import pallas as pl
from jax.experimental.pallas import tpu as pltpu
from jax.experimental.pallas import tpu_sc as plsc


def _build_sc_call(H, W, F):
    NS = 16
    JW = W // NS
    IW = H // NS
    mesh = plsc.VectorSubcoreMesh(core_axis_name="c", subcore_axis_name="s")

    @functools.partial(
        pl.kernel,
        mesh=mesh,
        out_type=jax.ShapeDtypeStruct((H, W, 2 * F), jnp.float32),
        scratch_types=[
            pltpu.VMEM((H, F), jnp.float32),
            pltpu.SemaphoreType.DMA,
        ],
    )
    def sc_fill(row_hbm, col_hbm, out_hbm, stage, sem):
        c = lax.axis_index("c")
        s = lax.axis_index("s")

        @pl.when(s < 8)
        def _row_half():
            pltpu.sync_copy(row_hbm, stage)
            j0 = c * (W // 2) + s * JW

            def fire(t, carry):
                pltpu.async_copy(stage, out_hbm.at[:, j0 + t, pl.ds(0, F)], sem)
                return carry

            lax.fori_loop(0, JW, fire, 0)

            def drain(t, carry):
                pltpu.make_async_copy(
                    stage, out_hbm.at[:, j0 + t, pl.ds(0, F)], sem
                ).wait()
                return carry

            lax.fori_loop(0, JW, drain, 0)

        @pl.when(s >= 8)
        def _col_half():
            pltpu.sync_copy(col_hbm, stage)
            i0 = c * (H // 2) + (s - 8) * IW

            def fire(t, carry):
                pltpu.async_copy(stage, out_hbm.at[i0 + t, :, pl.ds(F, F)], sem)
                return carry

            lax.fori_loop(0, IW, fire, 0)

            def drain(t, carry):
                pltpu.make_async_copy(
                    stage, out_hbm.at[i0 + t, :, pl.ds(F, F)], sem
                ).wait()
                return carry

            lax.fori_loop(0, IW, drain, 0)

    return sc_fill


def kernel(bev_h, bev_w, row_table, col_table):
    H, F = row_table.shape
    W = col_table.shape[0]
    out = _build_sc_call(H, W, F)(row_table, col_table)
    return out.reshape(1, H * W, 2 * F)

# --- scband reference (transcript-rebuilt; emitter-appended) ---
"""Pipeline reference for scband-learned-positional-encoding-64707977282320 (READ-ONLY COPY).

The authoritative reference and input builder live on the scoring server;
editing this copy changes nothing except your own understanding.
"""

import jax, jax.numpy as jnp
import numpy as np


def setup_inputs(seed: int = 0) -> dict:
    key = jax.random.key(seed)
    k1, k2 = jax.random.split(key)
    num_feats = 128
    row_num_embed = 512
    col_num_embed = 512
    return {
        "bev_h": 512,
        "bev_w": 512,
        "row_table": jax.random.normal(k1, (row_num_embed, num_feats), dtype=jnp.float32),
        "col_table": jax.random.normal(k2, (col_num_embed, num_feats), dtype=jnp.float32),
    }


def reference(bev_h, bev_w, row_table, col_table):
    H = row_table.shape[0]
    W = col_table.shape[0]
    # h_embed: arange(bev_h).unsqueeze(1).repeat(1, bev_w) then flatten
    h_embed = jnp.tile((jnp.arange(H) + (bev_h - H))[:, None], (1, W)).reshape(-1)
    # w_embed: arange(bev_w).unsqueeze(0).repeat(bev_h, 1) then flatten
    w_embed = jnp.tile((jnp.arange(W) + (bev_w - W))[None, :], (H, 1)).reshape(-1)
    # nn.Embedding lookup -> row gather from table
    h_pos = jnp.take(row_table, h_embed, axis=0)
    w_pos = jnp.take(col_table, w_embed, axis=0)
    pos = jnp.concatenate([h_pos, w_pos], axis=-1)
    return pos[None]  # [1, bev_h*bev_w, 2*num_feats]

if __name__ == "__main__":
    import jax
    _d = setup_inputs()
    print(jax.jit(kernel)(*tuple(_d.values())))

</pallas_src>

<mosaic_0001>
#map = affine_map<(d0, d1) -> (0, 0)>
#map1 = affine_map<(d0, d1) -> (0, 0, 0)>
module attributes {stable_mosaic.version = 14 : i64} {
  func.func @sc_fill(%arg0: i32, %arg1: i32, %arg2: memref<512x128xf32, #tpu.memory_space<hbm>>, %arg3: memref<512x128xf32, #tpu.memory_space<hbm>>, %arg4: memref<512x512x256xf32, #tpu.memory_space<hbm>>, %arg5: memref<512x128xf32, #tpu.memory_space<vmem>>, %arg6: memref<!tpu.dma_semaphore, #tpu.memory_space<semaphore_mem>>) attributes {dimension_semantics = [#tpu.dimension_semantics<core_parallel>, #tpu.dimension_semantics<subcore_parallel>], iteration_bounds = array<i64: 2, 16>, scalar_prefetch = 0 : i64, scratch_operands = 2 : i64, tpu.core_type = #tpu.core_type<sc_vector_subcore>, window_params = [{transform_indices = #map}, {transform_indices = #map}, {transform_indices = #map1}]} {
    %lt3A = arith.constant 8 : i32
    %lt3A_0 = arith.cmpi slt, %arg1, %lt3A : i32
    %convert_element_type3A = arith.extui %lt3A_0 : i1 to i32
    %cond3A = arith.constant 0 : i32
    %cond3A_1 = arith.cmpi ne, %convert_element_type3A, %cond3A : i32
    scf.if %cond3A_1 {
      "tpu.region"() ({
        %run_scoped3A = tpu.sem_alloc : memref<!tpu.dma_semaphore, #tpu.memory_space<semaphore_mem>>
        tpu.enqueue_dma source(%arg2 : memref<512x128xf32, #tpu.memory_space<hbm>>) target(%arg5 : memref<512x128xf32, #tpu.memory_space<vmem>>) target_semaphore(%run_scoped3A : memref<!tpu.dma_semaphore, #tpu.memory_space<semaphore_mem>>)
        tpu.wait_dma2 semaphore(%run_scoped3A : memref<!tpu.dma_semaphore, #tpu.memory_space<semaphore_mem>>) src(%arg2 : memref<512x128xf32, #tpu.memory_space<hbm>>) dst(%arg5 : memref<512x128xf32, #tpu.memory_space<vmem>>)
        tpu.yield
      }) : () -> ()
      %mul3A = arith.constant 256 : i32
      %mul3A_6 = arith.muli %arg0, %mul3A : i32
      %mul3A_7 = arith.constant 32 : i32
      %mul3A_8 = arith.muli %arg1, %mul3A_7 : i32
      %add3A = arith.addi %mul3A_6, %mul3A_8 : i32
      %scan3A = arith.constant 0 : i32
      %scan3A_9 = arith.constant 0 : i32
      %scan3A_10 = arith.constant 32 : i32
      %scan3A_11 = arith.addi %scan3A_9, %scan3A_10 : i32
      %scan3A_12 = arith.constant 1 : i32
      scf.for %scan3A_20 = %scan3A_9 to %scan3A_11 step %scan3A_12  : i32 {
        %add3A_21 = arith.addi %add3A, %scan3A_20 : i32
        %dma_start3A = arith.constant 0 : i32
        %dma_start3A_22 = arith.constant 0 : i32
        %dma_start3A_23 = tpu.memref_slice %arg4[%dma_start3A, %add3A_21, %dma_start3A_22] : memref<512x512x256xf32, #tpu.memory_space<hbm>> -> memref<512x1x128xf32, #tpu.memory_space<hbm>>
        %dma_start3A_24 = tpu.memref_squeeze %dma_start3A_23 : memref<512x1x128xf32, #tpu.memory_space<hbm>> -> memref<512x128xf32, #tpu.memory_space<hbm>>
        %dma_start3A_25 = arith.constant 0 : i32
        %dma_start3A_26 = arith.constant 0 : i32
        %dma_start3A_27 = tpu.memref_slice %arg4[%dma_start3A_25, %add3A_21, %dma_start3A_26] : memref<512x512x256xf32, #tpu.memory_space<hbm>> -> memref<512x1x128xf32, #tpu.memory_space<hbm>>
        %dma_start3A_28 = tpu.memref_squeeze %dma_start3A_27 : memref<512x1x128xf32, #tpu.memory_space<hbm>> -> memref<512x128xf32, #tpu.memory_space<hbm>>
        tpu.enqueue_dma source(%arg5 : memref<512x128xf32, #tpu.memory_space<vmem>>) target(%dma_start3A_28 : memref<512x128xf32, #tpu.memory_space<hbm>>) target_semaphore(%arg6 : memref<!tpu.dma_semaphore, #tpu.memory_space<semaphore_mem>>)
      }
      %scan3A_13 = arith.constant 32 : i32
      %scan3A_14 = arith.constant 0 : i32
      %scan3A_15 = arith.constant 0 : i32
      %scan3A_16 = arith.constant 32 : i32
      %scan3A_17 = arith.addi %scan3A_15, %scan3A_16 : i32
      %scan3A_18 = arith.constant 1 : i32
      scf.for %scan3A_20 = %scan3A_15 to %scan3A_17 step %scan3A_18  : i32 {
        %add3A_21 = arith.addi %add3A, %scan3A_20 : i32
        %dma_wait3A = arith.constant 0 : i32
        %dma_wait3A_22 = arith.constant 0 : i32
        %dma_wait3A_23 = tpu.memref_slice %arg4[%dma_wait3A, %add3A_21, %dma_wait3A_22] : memref<512x512x256xf32, #tpu.memory_space<hbm>> -> memref<512x1x128xf32, #tpu.memory_space<hbm>>
        %dma_wait3A_24 = tpu.memref_squeeze %dma_wait3A_23 : memref<512x1x128xf32, #tpu.memory_space<hbm>> -> memref<512x128xf32, #tpu.memory_space<hbm>>
        %dma_wait3A_25 = arith.constant 0 : i32
        %dma_wait3A_26 = arith.constant 0 : i32
        %dma_wait3A_27 = tpu.memref_slice %arg4[%dma_wait3A_25, %add3A_21, %dma_wait3A_26] : memref<512x512x256xf32, #tpu.memory_space<hbm>> -> memref<512x1x128xf32, #tpu.memory_space<hbm>>
        %dma_wait3A_28 = tpu.memref_squeeze %dma_wait3A_27 : memref<512x1x128xf32, #tpu.memory_space<hbm>> -> memref<512x128xf32, #tpu.memory_space<hbm>>
        tpu.wait_dma2 semaphore(%arg6 : memref<!tpu.dma_semaphore, #tpu.memory_space<semaphore_mem>>) src(%arg5 : memref<512x128xf32, #tpu.memory_space<vmem>>) dst(%dma_wait3A_28 : memref<512x128xf32, #tpu.memory_space<hbm>>)
      }
      %scan3A_19 = arith.constant 32 : i32
    } else {
    }
    %ge3A = arith.constant 8 : i32
    %ge3A_2 = arith.cmpi sge, %arg1, %ge3A : i32
    %convert_element_type3A_3 = arith.extui %ge3A_2 : i1 to i32
    %cond3A_4 = arith.constant 0 : i32
    %cond3A_5 = arith.cmpi ne, %convert_element_type3A_3, %cond3A_4 : i32
    scf.if %cond3A_5 {
      "tpu.region"() ({
        %run_scoped3A = tpu.sem_alloc : memref<!tpu.dma_semaphore, #tpu.memory_space<semaphore_mem>>
        tpu.enqueue_dma source(%arg3 : memref<512x128xf32, #tpu.memory_space<hbm>>) target(%arg5 : memref<512x128xf32, #tpu.memory_space<vmem>>) target_semaphore(%run_scoped3A : memref<!tpu.dma_semaphore, #tpu.memory_space<semaphore_mem>>)
        tpu.wait_dma2 semaphore(%run_scoped3A : memref<!tpu.dma_semaphore, #tpu.memory_space<semaphore_mem>>) src(%arg3 : memref<512x128xf32, #tpu.memory_space<hbm>>) dst(%arg5 : memref<512x128xf32, #tpu.memory_space<vmem>>)
        tpu.yield
      }) : () -> ()
      %mul3A = arith.constant 256 : i32
      %mul3A_6 = arith.muli %arg0, %mul3A : i32
      %sub3A = arith.constant 8 : i32
      %sub3A_7 = arith.subi %arg1, %sub3A : i32
      %mul3A_8 = arith.constant 32 : i32
      %mul3A_9 = arith.muli %sub3A_7, %mul3A_8 : i32
      %add3A = arith.addi %mul3A_6, %mul3A_9 : i32
      %scan3A = arith.constant 0 : i32
      %scan3A_10 = arith.constant 0 : i32
      %scan3A_11 = arith.constant 32 : i32
      %scan3A_12 = arith.addi %scan3A_10, %scan3A_11 : i32
      %scan3A_13 = arith.constant 1 : i32
      scf.for %scan3A_21 = %scan3A_10 to %scan3A_12 step %scan3A_13  : i32 {
        %add3A_22 = arith.addi %add3A, %scan3A_21 : i32
        %dma_start3A = arith.constant 0 : i32
        %dma_start3A_23 = arith.constant 128 : i32
        %dma_start3A_24 = tpu.memref_slice %arg4[%add3A_22, %dma_start3A, %dma_start3A_23] : memref<512x512x256xf32, #tpu.memory_space<hbm>> -> memref<1x512x128xf32, #tpu.memory_space<hbm>>
        %dma_start3A_25 = tpu.memref_squeeze %dma_start3A_24 : memref<1x512x128xf32, #tpu.memory_space<hbm>> -> memref<512x128xf32, #tpu.memory_space<hbm>>
        %dma_start3A_26 = arith.constant 0 : i32
        %dma_start3A_27 = arith.constant 128 : i32
        %dma_start3A_28 = tpu.memref_slice %arg4[%add3A_22, %dma_start3A_26, %dma_start3A_27] : memref<512x512x256xf32, #tpu.memory_space<hbm>> -> memref<1x512x128xf32, #tpu.memory_space<hbm>>
        %dma_start3A_29 = tpu.memref_squeeze %dma_start3A_28 : memref<1x512x128xf32, #tpu.memory_space<hbm>> -> memref<512x128xf32, #tpu.memory_space<hbm>>
        tpu.enqueue_dma source(%arg5 : memref<512x128xf32, #tpu.memory_space<vmem>>) target(%dma_start3A_29 : memref<512x128xf32, #tpu.memory_space<hbm>>) target_semaphore(%arg6 : memref<!tpu.dma_semaphore, #tpu.memory_space<semaphore_mem>>)
      }
      %scan3A_14 = arith.constant 32 : i32
      %scan3A_15 = arith.constant 0 : i32
      %scan3A_16 = arith.constant 0 : i32
      %scan3A_17 = arith.constant 32 : i32
      %scan3A_18 = arith.addi %scan3A_16, %scan3A_17 : i32
      %scan3A_19 = arith.constant 1 : i32
      scf.for %scan3A_21 = %scan3A_16 to %scan3A_18 step %scan3A_19  : i32 {
        %add3A_22 = arith.addi %add3A, %scan3A_21 : i32
        %dma_wait3A = arith.constant 0 : i32
        %dma_wait3A_23 = arith.constant 128 : i32
        %dma_wait3A_24 = tpu.memref_slice %arg4[%add3A_22, %dma_wait3A, %dma_wait3A_23] : memref<512x512x256xf32, #tpu.memory_space<hbm>> -> memref<1x512x128xf32, #tpu.memory_space<hbm>>
        %dma_wait3A_25 = tpu.memref_squeeze %dma_wait3A_24 : memref<1x512x128xf32, #tpu.memory_space<hbm>> -> memref<512x128xf32, #tpu.memory_space<hbm>>
        %dma_wait3A_26 = arith.constant 0 : i32
        %dma_wait3A_27 = arith.constant 128 : i32
        %dma_wait3A_28 = tpu.memref_slice %arg4[%add3A_22, %dma_wait3A_26, %dma_wait3A_27] : memref<512x512x256xf32, #tpu.memory_space<hbm>> -> memref<1x512x128xf32, #tpu.memory_space<hbm>>
        %dma_wait3A_29 = tpu.memref_squeeze %dma_wait3A_28 : memref<1x512x128xf32, #tpu.memory_space<hbm>> -> memref<512x128xf32, #tpu.memory_space<hbm>>
        tpu.wait_dma2 semaphore(%arg6 : memref<!tpu.dma_semaphore, #tpu.memory_space<semaphore_mem>>) src(%arg5 : memref<512x128xf32, #tpu.memory_space<vmem>>) dst(%dma_wait3A_29 : memref<512x128xf32, #tpu.memory_space<hbm>>)
      }
      %scan3A_20 = arith.constant 32 : i32
    } else {
    }
    return
  }
}

</mosaic_0001>

<sc_bundles>
// kernel: kernel.3.cloned.1.call-start
scs
__scs_entry_jumppad:
0x0: {  	(pc) =	sbr.rel $0x88, $3  }
0x1: {  	(tag) =	ssettag $0x0;
	lr =	simm.s32 $0x1  }
0x2: {  	[smem:$0x3F9F] =	sst lr;
	_ =	strace $0xD0000000  }
0x3: {  	_ = 	snop  }
0x4: {  	_ = 	snop  }
0x5: {  	_ = 	snop  }
0x6: {  	_ = 	snop  }
0x7: {  	_ = 	snop  }
__scs_overlays_trampoline_lowered:
0x8: {  	[smem:$0x3FAE] =	sst s0  }
0x9: {  	[smem:$0x3FAF] =	sst s1  }
0xa: {  	[smem:$0x3FB0] =	sst s2  }
0xb: {  	[smem:$0x3FB1] =	sst s3  }
0xc: {  	[smem:$0x3FB2] =	sst s4  }
0xd: {  	[smem:$0x3FB3] =	sst s5  }
0xe: {  	[smem:$0x3FB4] =	sst s6  }
0xf: {  	[smem:$0x3FB5] =	sst s7  }
0x10: {  	[smem:$0x3FB6] =	sst s8  }
0x11: {  	[smem:$0x3FB7] =	sst s9;
	s0 =	simm.s32 @!p0 $0x0  }
0x12: {  	s1 =	sld [smem:$0x3F9D];
	s0 =	simm.s32 @p0 $0x1  }
0x13: {  	[smem:$0x3FB8] =	sst s0;
	s0 =	simm.s32 @!p1 $0x0  }
0x14: {  	s2 =	sld [smem:$0x3F9C];
	s0 =	simm.s32 @p1 $0x1  }
0x15: {  	[smem:$0x3FB9] =	sst s0;
	s0 =	simm.s32 @!p2 $0x0  }
0x16: {  	s3 =	sld [smem:$0x3FDB];
	s0 =	simm.s32 @p2 $0x1  }
0x17: {  	s4 =	simm.s32 $0x1BF5;
	[smem:$0x3FBB] =	sst s0  }
0x18: {  	s0 =	sld [smem:$0x3F9E];
	_ =	swait.ge [sflag:s4], $0x0  }
0x19: {  	s7 =	sld [smem:$0x3F9F]  }
0x1a: {  	s8 =	sadd.s32 $0xFFFFE003, lr  }
0x1b: {  	s9 =	sadd.s32 $0xFFFFFEF7, lr;
	s5 =	simm.s32 $0xFFFFFFFF;
	p2 =	slt.u32 s8, $0xFFFFF086  }
0x1c: {  	p1 =	slt.u32 s9, $0xF7A;
	s5 =	simm.s32 @!p2 $0x0  }
0x1d: {  	s5 =	simm.s32 @p1 $0x1;
	p0 =	seq.s32 s7, s2  }
0x1e: {  	s7 =	smul.u32 @!p0 $0xF7A, s2;
	p2 =	seq.s32 @!p0 s5, $0x0  }
0x1f: {  	s9 =	smul.u32 $0xF7A, s1;
	s8 =	simm.s32 @!p0 $0x1BF5;
	p2 =	por !p2, p0  }
0x20: {  	[sflag:s8] =	ssyncset.s32 @!p0 $0xFFFFF086;
	s6 =	sadd.s32 @!p0 s3, s7;
	s7 =	simm.s32 @!p0 $0x108  }
0x21: {  	s3 =	sadd.s32 s3, s9;
	s6 =	sadd.s32 @!p0 $0x88, s6;
	s7 =	simm.s32 @p2 $0x1082  }
0x22: {  	[simem:s7], [sflag:s8] =	dma.local @!p0 [hbm:s6], $0xF7A  }
0x23: {  	s9 =	sor.u32 $0xD0000000, s2;
	s6 =	simm.s32 $0x108;
	_ =	swait.ge @!p0 [sflag:s8], $0x0  }
0x24: {  	s3 =	sadd.s32 $0x88, s3;
	s6 =	simm.s32 @!p1 $0x1082;
	[sflag:s4] =	ssyncset.s32 $0xFFFFF086  }
0x25: {  	[simem:s6], [sflag:s4] =	dma.local [hbm:s3], $0xF7A  }
0x26: {  	[smem:$0x3F9F] =	sst s1;
	(tag) =	ssettag s2;
	_ =	strace s9  }
0x27: {  	s1 =	sld [smem:$0x3FAF]  }
0x28: {  	s2 =	sld [smem:$0x3FB0]  }
0x29: {  	s4 =	sld [smem:$0x3FB2]  }
0x2a: {  	p0 =	seq.s32 s5, $0x0;
	s5 =	sld [smem:$0x3FB3]  }
0x2b: {  	s6 =	sld [smem:$0x3FB4]  }
0x2c: {  	s7 =	sld [smem:$0x3FB5]  }
0x2d: {  	s3 =	simm.s32 $0x108;
	s8 =	sld [smem:$0x3FB6]  }
0x2e: {  	s3 =	simm.s32 @!p0 $0x1082;
	s9 =	sld [smem:$0x3FB7]  }
0x2f: {  	lr =	sadd.s32 s0, s3;
	s0 =	sld [smem:$0x3FAE]  }
0x30: {  	s3 =	sld [smem:$0x3FB1]  }
0x31: {  	[smem:$0x3FBA] =	sst s10  }
0x32: {  	s10 =	sld [smem:$0x3FB8];
	_ =	sdelay $0x3  }
0x33: {  	p0 =	seq.s32 s10, $0x1;
	s10 =	sld [smem:$0x3FBA];
	_ =	sdelay $0x3  }
0x34: {  	[smem:$0x3FBA] =	sst s10  }
0x35: {  	s10 =	sld [smem:$0x3FB9];
	_ =	sdelay $0x3  }
0x36: {  	p1 =	seq.s32 s10, $0x1;
	s10 =	sld [smem:$0x3FBA];
	_ =	sdelay $0x3  }
0x37: {  	[smem:$0x3FBA] =	sst s10  }
0x38: {  	s10 =	sld [smem:$0x3FBB]  }
0x39: {  	_ = 	snop;
	(pc) =	sbr.ind lr, $3  }
0x3a: {  	_ = 	snop  }
0x3b: {  	_ = 	snop  }
0x3c: {  	p2 =	seq.s32 s10, $0x1;
	s10 =	sld [smem:$0x3FBA]  }
0x3d: {  	_ =	shalt  }
0x3e: {  	_ =	shalt  }
0x3f: {  	_ =	shalt  }
0x40: {  	_ =	shalt  }
0x41: {  	_ =	shalt  }
0x42: {  	_ =	shalt  }
0x43: {  	_ =	shalt  }
0x44: {  	_ =	shalt  }
0x45: {  	_ =	shalt  }
0x46: {  	_ =	shalt  }
0x47: {  	_ =	shalt  }
0x48: {  	_ =	shalt  }
0x49: {  	_ =	shalt  }
0x4a: {  	_ =	shalt  }
0x4b: {  	_ =	shalt  }
0x4c: {  	_ =	shalt  }
0x4d: {  	_ =	shalt  }
0x4e: {  	_ =	shalt  }
0x4f: {  	_ =	shalt  }
0x50: {  	_ =	shalt  }
0x51: {  	_ =	shalt  }
0x52: {  	_ =	shalt  }
0x53: {  	_ =	shalt  }
0x54: {  	_ =	shalt  }
0x55: {  	_ =	shalt  }
0x56: {  	_ =	shalt  }
0x57: {  	_ =	shalt  }
0x58: {  	_ =	shalt  }
0x59: {  	_ =	shalt  }
0x5a: {  	_ =	shalt  }
0x5b: {  	_ =	shalt  }
0x5c: {  	_ =	shalt  }
0x5d: {  	_ =	shalt  }
0x5e: {  	_ =	shalt  }
0x5f: {  	_ =	shalt  }
0x60: {  	_ =	shalt  }
0x61: {  	_ =	shalt  }
0x62: {  	_ =	shalt  }
0x63: {  	_ =	shalt  }
0x64: {  	_ =	shalt  }
0x65: {  	_ =	shalt  }
0x66: {  	_ =	shalt  }
0x67: {  	_ =	shalt  }
0x68: {  	_ =	shalt  }
0x69: {  	_ =	shalt  }
0x6a: {  	_ =	shalt  }
0x6b: {  	_ =	shalt  }
0x6c: {  	_ =	shalt  }
0x6d: {  	_ =	shalt  }
0x6e: {  	_ =	shalt  }
0x6f: {  	_ =	shalt  }
0x70: {  	_ =	shalt  }
0x71: {  	_ =	shalt  }
0x72: {  	_ =	shalt  }
0x73: {  	_ =	shalt  }
0x74: {  	_ =	shalt  }
0x75: {  	_ =	shalt  }
0x76: {  	_ =	shalt  }
0x77: {  	_ =	shalt  }
0x78: {  	_ =	shalt  }
0x79: {  	_ =	shalt  }
0x7a: {  	_ =	shalt  }
0x7b: {  	_ =	shalt  }
0x7c: {  	_ =	shalt  }
0x7d: {  	_ =	shalt  }
0x7e: {  	_ =	shalt  }
0x7f: {  	_ =	shalt  }
0x80: {  	_ =	shalt  }
0x81: {  	_ =	shalt  }
0x82: {  	_ =	shalt  }
0x83: {  	_ =	shalt  }
0x84: {  	_ =	shalt  }
0x85: {  	_ =	shalt  }
0x86: {  	_ =	shalt  }
0x87: {  	_ =	shalt  }
.Lfunc_end0:
.L_simem_size_0:
called_computation_lowered:
.L_overlay_start_0:
0x88: {  	s2 =	sld [smem:$0x3FD9]  }
0x89: {  	s3 =	sld [smem:$0x3FFE];
	_ =	sdelay $0x1  }
0x8a: {  	s1 =	srdreg.scid  }
0x8b: {  	s0 =	sand.u32 $0x1, s1  }
0x8c: {  	s18 =	sshll.u32 s0, $0xA;
	s2 =	sadd.s32 s3, s2  }
0x8d: {  	s2 =	sadd.s32 s2, s18  }
0x8e: {  	[smem:$0x3FC6] =	sst s2  }
0x8f: {  	_ = 	snop  }
0x90: {  	s2 =	sld [smem:$0x3FC9]  }
0x91: {  	s19 =	sld [smem:$0x3FC8]  }
0x92: {  	s4 =	sld [smem:$0x3FD0];
	(tm) =	ssettm $0x1  }
0x93: {  	s5 =	sld [smem:$0x3FFB];
	_ =	sdelay $0x3  }
0x94: {  	_ =	strace s5  }
0x95: {  	s5 =	sld [smem:$0x3FFC];
	_ =	sdelay $0x3  }
0x96: {  	_ =	strace s5  }
0x97: {  	s5 =	sld [smem:$0x3FFD];
	_ =	sdelay $0x3  }
0x98: {  	_ =	strace s5  }
0x99: {  	_ =	strace $0x8FFFFFFF  }
0x9a: {  	s20 =	sld [smem:$0x3FDB];
	_ =	sdelay $0x1  }
0x9b: {  	s6 =	simm.s32 $_scs_section_size  }
0x9c: {  	s7 =	simm.s32 $_size__tile_overlayer_lowered;
	s8 =	simm.s32 $_tile_overlayer_lowered  }
0x9d: {  	s23 =	simm.s32 $0x1BFF;
	s22 =	sshll.u32 s8, $0x1;
	s5 =	sadd.s32 s6, s20  }
0x9e: {  	s9 =	simm.s32 $0x0;
	s21 =	sshll.u32 s7, $0x1;
	s7 =	sadd.s32 s22, s5  }
0x9f: {  	[timem:s9], [sflag:s23] =	dma.local [hbm:s7], s21  }
0xa0: {  	_ =	swait.ge [sflag:s23], s21  }
0xa1: {  	s6 =	ssub.s32 $0x0, s21;
	[sflag:s23] =	ssyncset.done $0x0  }
0xa2: {  	[sflag:s23] =	ssyncadd.s32 s6;
	_ =	sdelay $0x1  }
0xa3: {  	s24 =	simm.s32 $0x1B8B  }
0xa4: {  	_ =	swait.ge [sflag:s24], $0x1  }
0xa5: {  	[sflag:s24] =	ssyncset.done $0x0  }
0xa6: {  	s25 =	simm.s32 $0x1B8E;
	[sflag:s24] =	ssyncadd.s32 $0xFFFFFFFF  }
0xa7: {  	s26 =	simm.s32 $execute0_lowered;
	[smem:$0x3FD2] =	sst s25  }
0xa8: {  	s6 =	sshll.u32 s26, $0x1;
	_ =	strace $0x80000046;
	[dreg:$0x1] =	wrdreg $0xFFFFFFFF  }
0xa9: {  	s28 =	simm.s32 $_size_execute0_lowered;
	s5 =	sadd.s32 s5, s6;
	[dreg:$0x0] =	wrdreg $0x0  }
0xaa: {  	s6 =	sshll.u32 s28, $0x1;
	[dreg:$0x2] =	wrdreg s5  }
0xab: {  	[dreg:$0x3] =	wrdreg s6  }
0xac: {  	[dreg:$0x4] =	wrdreg $0xC0  }
0xad: {  	_ =	task [dreg:s9], $0x5FFFF  }
0xae: {  	[dreg:$0x1] =	wrdreg $0xFFFFFFFF  }
0xaf: {  	[dreg:$0x0] =	wrdreg $0x60  }
0xb0: {  	[dreg:$0x2] =	wrdreg s2  }
0xb1: {  	[dreg:$0x3] =	wrdreg s19  }
0xb2: {  	[dreg:$0x4] =	wrdreg s4  }
0xb3: {  	[dreg:$0x5] =	wrdreg $0x9  }
0xb4: {  	_ =	task.clear_ibuf [dreg:s9], $0x6FFFF;
	_ =	strace $0x90000046  }
0xb5: {  	s29 =	simm.s32 $0x9;
	_ =	strace $0x80000048  }
0xb6: {  	_ =	swait.ge [sflag:s29], $0x1  }
0xb7: {  	[sflag:s29] =	ssyncadd.s32 $0xFFFFFFFF  }
0xb8: {  	_ =	strace $0x90000048  }
0xb9: {  	_ =	sfence  }
0xba: {  	s30 =	sld [smem:$0x0];
	_ =	sdelay $0x2  }
0xbb: {  	s31 =	sshll.u32 s1, $0xD;
	s1 =	sshrl.u32 s1, $0x2  }
0xbc: {  	s3 =	sand.u32 $0x4000, s31;
	s1 =	sadd.s32 s1, s30  }
0xbd: {  	s0 =	sor.u32 s3, s0;
	s1 =	sshll.u32 s1, $0x11  }
0xbe: {  	s0 =	sor.u32 s1, s0  }
0xbf: {  	s0 =	sadd.s32 $0x8F2B, s0  }
0xc0: {  	[sflag:s0] =	ssyncadd.remote.s32 $0x1  }
0xc1: {  	_ =	sfence.sel $0xFFFF  }
0xc2: {  	[dreg:$0x0] =	wrdreg $0xFFFFFFFF;
	(pc) =	sbr.abs _section_cstart, $3  }
0xc3: {  	[dreg:$0x1] =	wrdreg $0xFFFFFFFF  }
0xc4: {  	_ =	task.clear_ibuf [dreg:s9], $0x2FFFF;
	_ =	strace $0x9FFFFFFF  }
0xc5: {  	(tm) =	ssettm $0x7FFFFFFF  }
tec
execute0_lowered:
.L_overlay_start_1:
0x0: {  	(tag) =	ssettag $0x1  }
0x1: {  	s2 =	srdreg.scid;
	s1 =	rddreg [dreg:$0x0]  }
0x2: {  	s0 =	stileid.u32;
	s3 =	rddreg [dreg:$0x1]  }
0x3: {  	s4 =	rddreg [dreg:$0x2];
	s10 =	simm.s32 $0x80;
	s11 =	simm.s32 $0x20000  }
0x4: {  	s12 =	simm.s32 $0x1;
	s13 =	simm.s32 $0x400;
	s14 =	simm.s32 $0x800  }
0x5: {  	s15 =	simm.s32 $0x0;
	s8 =	sand.u32 $0x1, s2;
	s5 =	sshll.u32 s0, $0x5  }
0x6: {  	s31 =	sshll.u32 s0, $0xA;
	p0 =	sgt.u32 s0, $0x7;
	s2 =	sshll.u32 s8, $0x8  }
0x7: {  	s6 =	ssub.s32 $0x2, s8;
	s8 =	sshll.u32 s8, $0xD;
	s5 =	sadd.s32 s5, s2  }
.Ltmp0:
0x8: {  	s2 =	rddreg [dreg:$0x3];
	s7 =	sadd.s32 $0x7F00, s5;
	(pc) =	sbr.rel .LBB2_1-.Ltmp0, $4  }
0x9: {  	s9 =	sshrl.u32 s6, $0x1;
	s8 =	sadd.s32 s31, s8;
	s7 =	sand.u32 $0x7FE0, s7  }
0xa: {  	s5 =	simm.s32 $0x0;
	s6 =	ssub.s32 s6, s9;
	s7 =	sshll.u32 s7, $0xE  }
0xb: {  	s9 =	simm.s32 $0x2;
	[smem:$0x7FF] =	sst s5;
	s7 =	sadd.s32 s7, s4  }
0xc: {  	s6 =	smax.u32 s6, $0x1;
	_ =	strace $0x80000047;
	s7 =	sadd.s32 $0x80, s7  }
.LBB2_7:
0xd: {  	[hbm4b:s17+s13] =	stream.strided.scatter [tilespmem:s5], [sflag:$0x1], $0x10000, s14, s13, $0x38;
	[tilespmem:$0x10000] =	vst v63  }
.LBB2_8:
0xe: {  	_ =	swait.ge [sflag:s12], $0x10000  }
0xf: {  	[sflag:s12] =	ssyncset.done $0x0  }
0x10: {  	[sflag:s12] =	ssyncadd.s32 $0xFFFF0000  }
0x11: {  	_ =	swait.ge [sflag:s12], $0x10000  }
0x12: {  	[sflag:s12] =	ssyncset.done $0x0  }
0x13: {  	[sflag:s12] =	ssyncadd.s32 $0xFFFF0000  }
0x14: {  	_ =	swait.ge [sflag:s12], $0x10000  }
0x15: {  	[sflag:s12] =	ssyncset.done $0x0  }
0x16: {  	[sflag:s12] =	ssyncadd.s32 $0xFFFF0000  }
0x17: {  	_ =	swait.ge [sflag:s12], $0x10000  }
0x18: {  	[sflag:s12] =	ssyncset.done $0x0  }
0x19: {  	[sflag:s12] =	ssyncadd.s32 $0xFFFF0000  }
0x1a: {  	_ =	swait.ge [sflag:s12], $0x10000  }
0x1b: {  	[sflag:s12] =	ssyncset.done $0x0  }
0x1c: {  	[sflag:s12] =	ssyncadd.s32 $0xFFFF0000  }
0x1d: {  	_ =	swait.ge [sflag:s12], $0x10000  }
0x1e: {  	[sflag:s12] =	ssyncset.done $0x0  }
0x1f: {  	[sflag:s12] =	ssyncadd.s32 $0xFFFF0000  }
0x20: {  	_ =	swait.ge [sflag:s12], $0x10000  }
0x21: {  	[sflag:s12] =	ssyncset.done $0x0  }
0x22: {  	[sflag:s12] =	ssyncadd.s32 $0xFFFF0000  }
0x23: {  	_ =	swait.ge [sflag:s12], $0x10000  }
0x24: {  	[sflag:s12] =	ssyncset.done $0x0  }
0x25: {  	[sflag:s12] =	ssyncadd.s32 $0xFFFF0000  }
0x26: {  	_ =	swait.ge [sflag:s12], $0x10000  }
0x27: {  	[sflag:s12] =	ssyncset.done $0x0  }
0x28: {  	[sflag:s12] =	ssyncadd.s32 $0xFFFF0000  }
0x29: {  	_ =	swait.ge [sflag:s12], $0x10000  }
0x2a: {  	[sflag:s12] =	ssyncset.done $0x0  }
0x2b: {  	[sflag:s12] =	ssyncadd.s32 $0xFFFF0000  }
0x2c: {  	_ =	swait.ge [sflag:s12], $0x10000  }
0x2d: {  	[sflag:s12] =	ssyncset.done $0x0  }
0x2e: {  	[sflag:s12] =	ssyncadd.s32 $0xFFFF0000  }
0x2f: {  	_ =	swait.ge [sflag:s12], $0x10000  }
0x30: {  	[sflag:s12] =	ssyncset.done $0x0  }
0x31: {  	[sflag:s12] =	ssyncadd.s32 $0xFFFF0000  }
0x32: {  	_ =	swait.ge [sflag:s12], $0x10000  }
0x33: {  	[sflag:s12] =	ssyncset.done $0x0  }
0x34: {  	[sflag:s12] =	ssyncadd.s32 $0xFFFF0000  }
0x35: {  	_ =	swait.ge [sflag:s12], $0x10000  }
0x36: {  	[sflag:s12] =	ssyncset.done $0x0  }
0x37: {  	[sflag:s12] =	ssyncadd.s32 $0xFFFF0000  }
0x38: {  	_ =	swait.ge [sflag:s12], $0x10000  }
0x39: {  	[sflag:s12] =	ssyncset.done $0x0  }
0x3a: {  	[sflag:s12] =	ssyncadd.s32 $0xFFFF0000  }
0x3b: {  	_ =	swait.ge [sflag:s12], $0x10000  }
0x3c: {  	[sflag:s12] =	ssyncset.done $0x0  }
0x3d: {  	[sflag:s12] =	ssyncadd.s32 $0xFFFF0000  }
0x3e: {  	_ =	swait.ge [sflag:s12], $0x10000  }
0x3f: {  	[sflag:s12] =	ssyncset.done $0x0  }
0x40: {  	[sflag:s12] =	ssyncadd.s32 $0xFFFF0000  }
0x41: {  	_ =	swait.ge [sflag:s12], $0x10000  }
0x42: {  	[sflag:s12] =	ssyncset.done $0x0  }
0x43: {  	[sflag:s12] =	ssyncadd.s32 $0xFFFF0000  }
0x44: {  	_ =	swait.ge [sflag:s12], $0x10000  }
0x45: {  	[sflag:s12] =	ssyncset.done $0x0  }
0x46: {  	[sflag:s12] =	ssyncadd.s32 $0xFFFF0000  }
0x47: {  	_ =	swait.ge [sflag:s12], $0x10000  }
0x48: {  	[sflag:s12] =	ssyncset.done $0x0  }
0x49: {  	[sflag:s12] =	ssyncadd.s32 $0xFFFF0000  }
0x4a: {  	_ =	swait.ge [sflag:s12], $0x10000  }
0x4b: {  	[sflag:s12] =	ssyncset.done $0x0  }
0x4c: {  	[sflag:s12] =	ssyncadd.s32 $0xFFFF0000  }
0x4d: {  	_ =	swait.ge [sflag:s12], $0x10000  }
0x4e: {  	[sflag:s12] =	ssyncset.done $0x0  }
0x4f: {  	[sflag:s12] =	ssyncadd.s32 $0xFFFF0000  }
0x50: {  	_ =	swait.ge [sflag:s12], $0x10000  }
0x51: {  	[sflag:s12] =	ssyncset.done $0x0  }
0x52: {  	[sflag:s12] =	ssyncadd.s32 $0xFFFF0000  }
0x53: {  	_ =	swait.ge [sflag:s12], $0x10000  }
0x54: {  	[sflag:s12] =	ssyncset.done $0x0  }
0x55: {  	[sflag:s12] =	ssyncadd.s32 $0xFFFF0000  }
0x56: {  	_ =	swait.ge [sflag:s12], $0x10000  }
0x57: {  	[sflag:s12] =	ssyncset.done $0x0  }
0x58: {  	[sflag:s12] =	ssyncadd.s32 $0xFFFF0000  }
0x59: {  	_ =	swait.ge [sflag:s12], $0x10000  }
0x5a: {  	[sflag:s12] =	ssyncset.done $0x0  }
0x5b: {  	[sflag:s12] =	ssyncadd.s32 $0xFFFF0000  }
0x5c: {  	_ =	swait.ge [sflag:s12], $0x10000  }
0x5d: {  	[sflag:s12] =	ssyncset.done $0x0  }
0x5e: {  	[sflag:s12] =	ssyncadd.s32 $0xFFFF0000  }
0x5f: {  	_ =	swait.ge [sflag:s12], $0x10000  }
0x60: {  	[sflag:s12] =	ssyncset.done $0x0  }
0x61: {  	[sflag:s12] =	ssyncadd.s32 $0xFFFF0000  }
0x62: {  	_ =	swait.ge [sflag:s12], $0x10000  }
0x63: {  	[sflag:s12] =	ssyncset.done $0x0  }
0x64: {  	[sflag:s12] =	ssyncadd.s32 $0xFFFF0000  }
0x65: {  	_ =	swait.ge [sflag:s12], $0x10000  }
0x66: {  	[sflag:s12] =	ssyncset.done $0x0  }
0x67: {  	s15 =	sadd.s32 $0x1, s15;
	[sflag:s12] =	ssyncadd.s32 $0xFFFF0000  }
0x68: {  	p1 =	sne.s32 s15, s6;
	_ =	swait.ge [sflag:s12], $0x10000  }
.Ltmp1:
0x69: {  	[sflag:s12] =	ssyncset.done $0x0;
	(pc) =	sbr.rel @!p1 .LBB2_9-.Ltmp1, $4  }
0x6a: {  	[sflag:s12] =	ssyncadd.s32 $0xFFFF0000  }
0x6b: {  	_ =	swait.ge [sflag:s12], $0x10000  }
0x6c: {  	[sflag:s12] =	ssyncset.done $0x0  }
0x6d: {  	[sflag:s12] =	ssyncadd.s32 $0xFFFF0000  }
.LBB2_1:
.Ltmp2:
0x6e: {  	(pc) =	sbr.rel @p0 .LBB2_5-.Ltmp2, $2  }
0x6f: {  	_ =	sdelay $0x2  }
0x70: {  	s16 =	simm.s32 $0x0  }
0x71: {  	[tilespmem:s16], [sflag:$0x2] =	stream.linear.gather [hbm4b:s1+s16], $0x10000, $0x38;
	[tilespmem:$0x10000] =	vst v63  }
0x72: {  	s31 =	sand.u32 $0x70, s16;
	s17 =	sand.u32 $0x3F00, s8;
	_ =	swait.ge [sflag:s9], $0x10000  }
0x73: {  	s16 =	simm.s32 $0x10;
	s18 =	sadd.s32 s4, s31;
	[sflag:s9] =	ssyncset.done $0x0  }
0x74: {  	s18 =	sadd.s32 s17, s18;
	s17 =	sadd.s32 $0x20, s8;
	[sflag:s9] =	ssyncadd.s32 $0xFFFF0000  }
.LBB2_3:
0x75: {  	[hbm4b:s18+s10] =	stream.strided.scatter [tilespmem:s5], [sflag:$0x1], $0x10000, s11, s10, $0x38;
	[tilespmem:$0x10000] =	vst v63  }
0x76: {  	s18 =	smov.u32 s16;
	p1 =	seq.s32 s16, $0x1F0  }
.Ltmp3:
0x77: {  	s16 =	sadd.s32 $0x10, s16;
	(pc) =	sbr.rel @!p1 .LBB2_3-.Ltmp3, $4  }
0x78: {  	_ = 	snop  }
0x79: {  	s18 =	sand.u32 $0x70, s18  }
0x7a: {  	s19 =	sand.u32 $0x3F00, s17;
	s18 =	sadd.s32 s4, s18  }
0x7b: {  	s17 =	sadd.s32 $0x20, s17;
	s18 =	sadd.s32 s19, s18  }
.Ltmp4:
0x7c: {  	(pc) =	sbr.rel .LBB2_8-.Ltmp4, $2  }
0x7d: {  	_ =	sdelay $0x2  }
0x7e: {  	[hbm4b:s18+s10] =	stream.strided.scatter [tilespmem:s5], [sflag:$0x1], $0x10000, s11, s10, $0x38;
	[tilespmem:$0x10000] =	vst v63  }
.LBB2_5:
0x7f: {  	[tilespmem:s16], [sflag:$0x2] =	stream.linear.gather [hbm4b:s3+s16], $0x10000, $0x38;
	[tilespmem:$0x10000] =	vst v63  }
0x80: {  	_ =	swait.ge [sflag:s9], $0x10000  }
0x81: {  	[sflag:s9] =	ssyncset.done $0x0  }
0x82: {  	s16 =	simm.s32 $0x4000;
	s17 =	sadd.s32 $0x0, s7;
	[sflag:s9] =	ssyncadd.s32 $0xFFFF0000  }
.LBB2_6:
0x83: {  	[hbm4b:s17+s13] =	stream.strided.scatter [tilespmem:s5], [sflag:$0x1], $0x10000, s14, s13, $0x38;
	[tilespmem:$0x10000] =	vst v63  }
0x84: {  	s17 =	smov.u32 s16;
	p1 =	sne.s32 s16, $0x7C000  }
.Ltmp5:
0x85: {  	s16 =	sadd.s32 $0x4000, s16;
	(pc) =	sbr.rel @p1 .LBB2_6-.Ltmp5, $2  }
0x86: {  	_ =	sdelay $0x2  }
0x87: {  	s17 =	sadd.s32 s17, s7  }
.Ltmp6:
0x88: {  	_ = 	snop;
	(pc) =	sbr.rel .LBB2_7-.Ltmp6, $1  }
0x89: {  	_ =	sdelay $0x3  }
.LBB2_9:
0x8a: {  	_ =	sfence.sel $0x180000  }
0x8b: {  	[bflag:$0x0] =	sbarrier.arrive $0xFFFF  }
0x8c: {  	p0 =	sne.s32 s0, $0x0;
	_ =	strace $0x90000047  }
0x8d: {  	s0 =	sadd.s32 @!p0 $0x100000, s2;
	[bflag:$0x2] =	sbarrier.arrive $0xFFFF  }
0x8e: {  	[sflag:s0] =	ssyncadd.tile.s32 @!p0 $0x1;
	_ =	shalt  }
.Lfunc_end2:
_tile_overlayer_lowered:
.L_overlay_start_2:
0x8f: {  	(tag) =	ssettag $0x2  }
0x90: {  	s0 =	rddreg [dreg:$0x0];
	s2 =	stileid.u32  }
0x91: {  	s1 =	rddreg [dreg:$0x1];
	p0 =	sne.s32 s2, $0x0  }
0x92: {  	s3 =	rddreg [dreg:$0x2];
	[bflag:$0x3] =	sbarrier.arrive $0xFFFF;
	s2 =	simm.s32 @!p0 $0x1C02  }
0x93: {  	[timem:s3], [sflag:s2] =	dma.local @!p0 [hbm:s0], s1  }
0x94: {  	s0 =	simm.s32 @!p0 $0x2  }
0x95: {  	_ =	swait.ge @!p0 [sflag:s0], s1  }
0x96: {  	s1 =	ssub.s32 @!p0 $0x0, s1;
	[sflag:s0] =	ssyncset.done @!p0 $0x0  }
0x97: {  	[sflag:s0] =	ssyncadd.s32 @!p0 s1  }
0x98: {  	[bflag:$0x3] =	sbarrier.arrive $0xFFFF  }
0x99: {  	_ =	shalt  }

</sc_bundles>
